<compile_context>
chip_gen: v7x
topology: tpu7x:2x2x1
jax: 0.10.2.dev20260603
libtpu: 0.0.44.dev20260713+nightly
codegen_flags: <defaults>
</compile_context>

<pallas_src>
import functools

import jax
import jax.numpy as jnp
from jax import lax
from jax.experimental import pallas as pl
from jax.experimental.pallas import tpu as pltpu
from jax.experimental.pallas import tpu_sc as plsc

B, NBEADS, NNBR = 8, 1024, 32
NG, NF = 64, 128
ROWS = B * NBEADS * NNBR
NW = 32
RPW = ROWS // NW
CH = 256
NCH = RPW // CH
LANES = 16

_LN2 = 0.6931471805599453


def _sc_gather(features_flat, nl_flat):
    mesh = plsc.VectorSubcoreMesh(core_axis_name="c", subcore_axis_name="s")

    @functools.partial(
        pl.kernel,
        out_type=jax.ShapeDtypeStruct((ROWS, NF), jnp.float32),
        mesh=mesh,
        scratch_types=[
            pltpu.VMEM((RPW,), jnp.int32),
            pltpu.VMEM((CH, NF), jnp.float32),
            pltpu.SemaphoreType.DMA,
        ],
    )
    def gather_kernel(feat_hbm, nl_hbm, out_hbm, idx_v, buf, gsem):
        wid = lax.axis_index("s") * 2 + lax.axis_index("c")
        b = wid // 4
        q = wid % 4
        pltpu.sync_copy(nl_hbm.at[pl.ds(q * RPW, RPW)], idx_v)
        boff = lax.broadcast(b * NBEADS, (LANES,))

        def add_off(j, _):
            idx_v[pl.ds(j * LANES, LANES)] = idx_v[pl.ds(j * LANES, LANES)] + boff
            return 0

        lax.fori_loop(0, RPW // LANES, add_off, 0)

        base = wid * RPW

        def do_chunk(c, _):
            pltpu.async_copy(
                feat_hbm.at[idx_v.at[pl.ds(c * CH, CH)]], buf, gsem
            ).wait()
            pltpu.sync_copy(buf, out_hbm.at[pl.ds(base + c * CH, CH)])
            return 0

        lax.fori_loop(0, NCH, do_chunk, 0)

    return gather_kernel(features_flat, nl_flat)


ROWBLK = 4096
BEADBLK = ROWBLK // NNBR


def _tc_body(rbf_ref, nf_ref, w1_ref, b1_ref, w2_ref, b2_ref, out_ref):
    x = rbf_ref[...]
    h = jnp.dot(x, w1_ref[...], preferred_element_type=jnp.float32)
    h = h + b1_ref[...]
    h = jnp.maximum(h, 0.0) + jnp.log(1.0 + jnp.exp(-jnp.abs(h))) - _LN2
    f = jnp.dot(h, w2_ref[...], preferred_element_type=jnp.float32)
    f = f + b2_ref[...]
    p = f * nf_ref[...]
    out_ref[...] = jnp.sum(p.reshape(BEADBLK, NNBR, NF), axis=1)


def _tc_compute(rbf_flat, nf_flat, W1, b1, W2, b2):
    grid = (ROWS // ROWBLK,)
    return pl.pallas_call(
        _tc_body,
        grid=grid,
        in_specs=[
            pl.BlockSpec((ROWBLK, NG), lambda i: (i, 0)),
            pl.BlockSpec((ROWBLK, NF), lambda i: (i, 0)),
            pl.BlockSpec((NG, NF), lambda i: (0, 0)),
            pl.BlockSpec((1, NF), lambda i: (0, 0)),
            pl.BlockSpec((NF, NF), lambda i: (0, 0)),
            pl.BlockSpec((1, NF), lambda i: (0, 0)),
        ],
        out_specs=pl.BlockSpec((BEADBLK, NF), lambda i: (i, 0)),
        out_shape=jax.ShapeDtypeStruct((B * NBEADS, NF), jnp.float32),
    )(rbf_flat, nf_flat, W1, b1, W2, b2)


def kernel(features, rbf_expansion, neighbor_list, W1, b1, W2, b2):
    features_flat = features.reshape(B * NBEADS, NF)
    nl_flat = neighbor_list.reshape(ROWS // B)
    nf_flat = _sc_gather(features_flat, nl_flat)
    agg = _tc_compute(
        rbf_expansion.reshape(ROWS, NG),
        nf_flat,
        W1,
        b1.reshape(1, NF),
        W2,
        b2.reshape(1, NF),
    )
    return agg.reshape(B, NBEADS, NF)

# --- scband reference (transcript-rebuilt; emitter-appended) ---
"""Pipeline reference for scband-continuous-filter-convolution-936302871133 (READ-ONLY COPY).

The authoritative reference and input builder live on the scoring server;
editing this copy changes nothing except your own understanding.
"""

import jax, jax.numpy as jnp
import numpy as np


def _ssp(x):
    # shifted softplus: softplus(x) - log(2)
    return jnp.logaddexp(x, 0.0) - jnp.log(2.0)


def setup_inputs(seed: int = 0) -> dict:
    key = jax.random.key(seed)
    k1, k2, k3, k4, k5 = jax.random.split(key, 5)
    B, n_beads, n_neighbors = 8, 1024, 32
    num_gaussians, num_filters = 64, 128
    features = jax.random.normal(k1, (B, n_beads, num_filters), dtype=jnp.float32)
    rbf_expansion = jax.random.uniform(k2, (B, n_beads, n_neighbors, num_gaussians), dtype=jnp.float32)
    neighbor_list = jax.random.randint(k3, (n_beads, n_neighbors), 0, n_beads, dtype=jnp.int32)
    # filter-generator params (two dense layers)
    W1 = jax.random.normal(k4, (num_gaussians, num_filters), dtype=jnp.float32) / np.sqrt(num_gaussians)
    b1 = jnp.zeros((num_filters,), dtype=jnp.float32)
    W2 = jax.random.normal(k5, (num_filters, num_filters), dtype=jnp.float32) / np.sqrt(num_filters)
    b2 = jnp.zeros((num_filters,), dtype=jnp.float32)
    return {"features": features, "rbf_expansion": rbf_expansion, "neighbor_list": neighbor_list,
            "W1": W1, "b1": b1, "W2": W2, "b2": b2}


def reference(features, rbf_expansion, neighbor_list, W1, b1, W2, b2):
    # filter generator: Linear -> shifted softplus -> Linear (no activation)
    h = _ssp(jnp.dot(rbf_expansion, W1) + b1)
    conv_filter = jnp.dot(h, W2) + b2  # [B, n_beads, n_neighbors, num_filters]
    num_batch = rbf_expansion.shape[0]
    num_beads, num_neighbors = neighbor_list.shape
    flat_idx = neighbor_list.reshape(-1)  # [n_beads * n_neighbors]
    # gather neighbor features along the bead axis (same index set per example)
    neighbor_features = jnp.take(features, flat_idx, axis=1)  # [B, n_beads*n_neighbors, F]
    neighbor_features = neighbor_features.reshape(num_batch, num_beads, num_neighbors, -1)
    conv_features = neighbor_features * conv_filter
    agg_features = jnp.sum(conv_features, axis=2)  # [B, n_beads, F]
    return agg_features

if __name__ == "__main__":
    import jax
    _d = setup_inputs()
    print(jax.jit(kernel)(*tuple(_d.values())))

</pallas_src>

<mosaic_0001>
#map = affine_map<(d0, d1) -> (0, 0)>
#map1 = affine_map<(d0, d1) -> (0)>
module attributes {stable_mosaic.version = 14 : i64} {
  func.func @gather_kernel(%arg0: i32, %arg1: i32, %arg2: memref<8192x128xf32, #tpu.memory_space<hbm>>, %arg3: memref<32768xi32, #tpu.memory_space<hbm>>, %arg4: memref<262144x128xf32, #tpu.memory_space<hbm>>, %arg5: memref<8192xi32, #tpu.memory_space<vmem>>, %arg6: memref<256x128xf32, #tpu.memory_space<vmem>>, %arg7: memref<!tpu.dma_semaphore, #tpu.memory_space<semaphore_mem>>) attributes {dimension_semantics = [#tpu.dimension_semantics<core_parallel>, #tpu.dimension_semantics<subcore_parallel>], iteration_bounds = array<i64: 2, 16>, scalar_prefetch = 0 : i64, scratch_operands = 3 : i64, tpu.core_type = #tpu.core_type<sc_vector_subcore>, window_params = [{transform_indices = #map}, {transform_indices = #map1}, {transform_indices = #map}]} {
    %mul3A = arith.constant 2 : i32
    %mul3A_0 = arith.muli %arg1, %mul3A : i32
    %add3A = arith.addi %mul3A_0, %arg0 : i32
    %jit3A = arith.constant 4 : i32
    %div3A = arith.divsi %add3A, %jit3A : i32
    %sign3A = arith.constant 0 : i32
    %sign3A_1 = arith.cmpi sgt, %add3A, %sign3A : i32
    %sign3A_2 = arith.extui %sign3A_1 : i1 to i32
    %sign3A_3 = arith.constant 0 : i32
    %sign3A_4 = arith.cmpi slt, %add3A, %sign3A_3 : i32
    %sign3A_5 = arith.extui %sign3A_4 : i1 to i32
    %sign3A_6 = arith.subi %sign3A_2, %sign3A_5 : i32
    %sign3A_7 = arith.constant 0 : i32
    %sign3A_8 = arith.cmpi sgt, %jit3A, %sign3A_7 : i32
    %sign3A_9 = arith.extui %sign3A_8 : i1 to i32
    %sign3A_10 = arith.constant 0 : i32
    %sign3A_11 = arith.cmpi slt, %jit3A, %sign3A_10 : i32
    %sign3A_12 = arith.extui %sign3A_11 : i1 to i32
    %sign3A_13 = arith.subi %sign3A_9, %sign3A_12 : i32
    %ne3A = arith.cmpi ne, %sign3A_6, %sign3A_13 : i32
    %rem3A = arith.remsi %add3A, %jit3A : i32
    %ne3A_14 = arith.constant 0 : i32
    %ne3A_15 = arith.cmpi ne, %rem3A, %ne3A_14 : i32
    %and3A = arith.andi %ne3A, %ne3A_15 : i1
    %sub3A = arith.constant 1 : i32
    %sub3A_16 = arith.subi %div3A, %sub3A : i32
    %select_n3A = arith.select %and3A, %sub3A_16, %div3A : i32
    %jit3A_17 = arith.constant 4 : i32
    %eq3A = arith.constant 0 : i32
    %eq3A_18 = arith.cmpi eq, %jit3A_17, %eq3A : i32
    %jit3A_19 = arith.constant 1 : i32
    %select_n3A_20 = arith.select %eq3A_18, %jit3A_19, %jit3A_17 : i32
    %rem3A_21 = arith.remsi %add3A, %select_n3A_20 : i32
    %ne3A_22 = arith.constant 0 : i32
    %ne3A_23 = arith.cmpi ne, %rem3A_21, %ne3A_22 : i32
    %lt3A = arith.constant 0 : i32
    %lt3A_24 = arith.cmpi slt, %rem3A_21, %lt3A : i32
    %lt3A_25 = arith.constant 0 : i32
    %lt3A_26 = arith.cmpi slt, %select_n3A_20, %lt3A_25 : i32
    %ne3A_27 = arith.xori %lt3A_24, %lt3A_26 : i1
    %and3A_28 = arith.andi %ne3A_27, %ne3A_23 : i1
    %add3A_29 = arith.addi %rem3A_21, %select_n3A_20 : i32
    %select_n3A_30 = arith.select %and3A_28, %add3A_29, %rem3A_21 : i32
    %mul3A_31 = arith.constant 8192 : i32
    %mul3A_32 = arith.muli %select_n3A_30, %mul3A_31 : i32
    "tpu.region"() ({
      %run_scoped3A = tpu.sem_alloc : memref<!tpu.dma_semaphore, #tpu.memory_space<semaphore_mem>>
      %dma_start3A = tpu.memref_slice %arg3[%mul3A_32] : memref<32768xi32, #tpu.memory_space<hbm>> -> memref<8192xi32, #tpu.memory_space<hbm>>
      %dma_start3A_50 = tpu.memref_slice %arg3[%mul3A_32] : memref<32768xi32, #tpu.memory_space<hbm>> -> memref<8192xi32, #tpu.memory_space<hbm>>
      tpu.enqueue_dma source(%dma_start3A_50 : memref<8192xi32, #tpu.memory_space<hbm>>) target(%arg5 : memref<8192xi32, #tpu.memory_space<vmem>>) target_semaphore(%run_scoped3A : memref<!tpu.dma_semaphore, #tpu.memory_space<semaphore_mem>>)
      %dma_wait3A = tpu.memref_slice %arg3[%mul3A_32] : memref<32768xi32, #tpu.memory_space<hbm>> -> memref<8192xi32, #tpu.memory_space<hbm>>
      %dma_wait3A_51 = tpu.memref_slice %arg3[%mul3A_32] : memref<32768xi32, #tpu.memory_space<hbm>> -> memref<8192xi32, #tpu.memory_space<hbm>>
      tpu.wait_dma2 semaphore(%run_scoped3A : memref<!tpu.dma_semaphore, #tpu.memory_space<semaphore_mem>>) src(%dma_wait3A_51 : memref<8192xi32, #tpu.memory_space<hbm>>) dst(%arg5 : memref<8192xi32, #tpu.memory_space<vmem>>)
      tpu.yield
    }) : () -> ()
    %mul3A_33 = arith.constant 1024 : i32
    %mul3A_34 = arith.muli %select_n3A, %mul3A_33 : i32
    %broadcast_in_dim3A = vector.broadcast %mul3A_34 : i32 to vector<16xi32>
    %scan3A = arith.constant 0 : i32
    %scan3A_35 = arith.constant 0 : i32
    %scan3A_36 = arith.constant 512 : i32
    %scan3A_37 = arith.addi %scan3A_35, %scan3A_36 : i32
    %scan3A_38 = arith.constant 1 : i32
    %scan3A_39 = scf.for %scan3A_50 = %scan3A_35 to %scan3A_37 step %scan3A_38 iter_args(%scan3A_51 = %scan3A) -> (i32)  : i32 {
      %mul3A_52 = arith.constant 16 : i32
      %mul3A_53 = arith.muli %scan3A_50, %mul3A_52 : i32
      %get3A = arith.index_cast %mul3A_53 : i32 to index
      %get3A_54 = tpu.vector_load %arg5[%get3A] {strides = array<i32>} : memref<8192xi32, #tpu.memory_space<vmem>>, vector<16xi32>,
      %get3A_55 = vector.shape_cast %get3A_54 : vector<16xi32> to vector<16xi32>
      %add3A_56 = arith.addi %get3A_55, %broadcast_in_dim3A : vector<16xi32>
      %mul3A_57 = arith.constant 16 : i32
      %mul3A_58 = arith.muli %scan3A_50, %mul3A_57 : i32
      %swap3A = arith.index_cast %mul3A_58 : i32 to index
      %swap3A_59 = tpu.vector_load %arg5[%swap3A] {strides = array<i32>} : memref<8192xi32, #tpu.memory_space<vmem>>, vector<16xi32>,
      %swap3A_60 = vector.shape_cast %swap3A_59 : vector<16xi32> to vector<16xi32>
      %swap3A_61 = vector.shape_cast %add3A_56 : vector<16xi32> to vector<16xi32>
      tpu.vector_store %arg5[%swap3A], %swap3A_61 {strides = array<i32>} : memref<8192xi32, #tpu.memory_space<vmem>>, vector<16xi32>,
      %scan3A_62 = arith.constant 0 : i32
      scf.yield %scan3A_62 : i32
    }
    %scan3A_40 = arith.constant 512 : i32
    %mul3A_41 = arith.constant 8192 : i32
    %mul3A_42 = arith.muli %add3A, %mul3A_41 : i32
    %scan3A_43 = arith.constant 0 : i32
    %scan3A_44 = arith.constant 0 : i32
    %scan3A_45 = arith.constant 32 : i32
    %scan3A_46 = arith.addi %scan3A_44, %scan3A_45 : i32
    %scan3A_47 = arith.constant 1 : i32
    %scan3A_48 = scf.for %scan3A_50 = %scan3A_44 to %scan3A_46 step %scan3A_47 iter_args(%scan3A_51 = %scan3A_43) -> (i32)  : i32 {
      %mul3A_52 = arith.constant 256 : i32
      %mul3A_53 = arith.muli %scan3A_50, %mul3A_52 : i32
      %dma_start3A = tpu.memref_slice %arg5[%mul3A_53] : memref<8192xi32, #tpu.memory_space<vmem>> -> memref<256xi32, #tpu.memory_space<vmem>>
      %dma_start3A_54 = arith.constant 0 : i32
      %dma_start3A_55 = arith.constant 0 : i32
      %dma_start3A_56 = tpu.memref_slice %arg2[%dma_start3A_54, %dma_start3A_55] : memref<8192x128xf32, #tpu.memory_space<hbm>> -> memref<8192x128xf32, #tpu.memory_space<hbm>>
      tpu.enqueue_indirect_dma source(%dma_start3A_56 : memref<8192x128xf32, #tpu.memory_space<hbm>>) target(%arg6 : memref<256x128xf32, #tpu.memory_space<vmem>>) offsets(%dma_start3A : memref<256xi32, #tpu.memory_space<vmem>>) semaphore(%arg7 : memref<!tpu.dma_semaphore, #tpu.memory_space<semaphore_mem>>)
      %dma_wait3A = tpu.memref_slice %arg5[%mul3A_53] : memref<8192xi32, #tpu.memory_space<vmem>> -> memref<256xi32, #tpu.memory_space<vmem>>
      %dma_wait3A_57 = arith.constant 0 : i32
      %dma_wait3A_58 = arith.constant 0 : i32
      %dma_wait3A_59 = tpu.memref_slice %arg2[%dma_wait3A_57, %dma_wait3A_58] : memref<8192x128xf32, #tpu.memory_space<hbm>> -> memref<8192x128xf32, #tpu.memory_space<hbm>>
      tpu.wait_indirect_dma semaphore(%arg7 : memref<!tpu.dma_semaphore, #tpu.memory_space<semaphore_mem>>) src(%dma_wait3A_59 : memref<8192x128xf32, #tpu.memory_space<hbm>>) dst(%arg6 : memref<256x128xf32, #tpu.memory_space<vmem>>)
      %mul3A_60 = arith.constant 256 : i32
      %mul3A_61 = arith.muli %scan3A_50, %mul3A_60 : i32
      %add3A_62 = arith.addi %mul3A_42, %mul3A_61 : i32
      "tpu.region"() ({
        %run_scoped3A = tpu.sem_alloc : memref<!tpu.dma_semaphore, #tpu.memory_space<semaphore_mem>>
        %dma_start3A_64 = arith.constant 0 : i32
        %dma_start3A_65 = tpu.memref_slice %arg4[%add3A_62, %dma_start3A_64] : memref<262144x128xf32, #tpu.memory_space<hbm>> -> memref<256x128xf32, #tpu.memory_space<hbm>>
        %dma_start3A_66 = arith.constant 0 : i32
        %dma_start3A_67 = tpu.memref_slice %arg4[%add3A_62, %dma_start3A_66] : memref<262144x128xf32, #tpu.memory_space<hbm>> -> memref<256x128xf32, #tpu.memory_space<hbm>>
        tpu.enqueue_dma source(%arg6 : memref<256x128xf32, #tpu.memory_space<vmem>>) target(%dma_start3A_67 : memref<256x128xf32, #tpu.memory_space<hbm>>) target_semaphore(%run_scoped3A : memref<!tpu.dma_semaphore, #tpu.memory_space<semaphore_mem>>)
        %dma_wait3A_68 = arith.constant 0 : i32
        %dma_wait3A_69 = tpu.memref_slice %arg4[%add3A_62, %dma_wait3A_68] : memref<262144x128xf32, #tpu.memory_space<hbm>> -> memref<256x128xf32, #tpu.memory_space<hbm>>
        %dma_wait3A_70 = arith.constant 0 : i32
        %dma_wait3A_71 = tpu.memref_slice %arg4[%add3A_62, %dma_wait3A_70] : memref<262144x128xf32, #tpu.memory_space<hbm>> -> memref<256x128xf32, #tpu.memory_space<hbm>>
        tpu.wait_dma2 semaphore(%run_scoped3A : memref<!tpu.dma_semaphore, #tpu.memory_space<semaphore_mem>>) src(%arg6 : memref<256x128xf32, #tpu.memory_space<vmem>>) dst(%dma_wait3A_71 : memref<256x128xf32, #tpu.memory_space<hbm>>)
        tpu.yield
      }) : () -> ()
      %scan3A_63 = arith.constant 0 : i32
      scf.yield %scan3A_63 : i32
    }
    %scan3A_49 = arith.constant 32 : i32
    return
  }
}

module attributes {stable_mosaic.version = 14 : i64} {
  func.func @_tc_body(%arg0: i32, %arg1: memref<4096x64xf32, #tpu.memory_space<vmem>>, %arg2: memref<4096x128xf32, #tpu.memory_space<vmem>>, %arg3: memref<64x128xf32, #tpu.memory_space<vmem>>, %arg4: memref<1x128xf32, #tpu.memory_space<vmem>>, %arg5: memref<128x128xf32, #tpu.memory_space<vmem>>, %arg6: memref<1x128xf32, #tpu.memory_space<vmem>>, %arg7: memref<128x128xf32, #tpu.memory_space<vmem>>) attributes {dimension_semantics = [#tpu.dimension_semantics<arbitrary>], iteration_bounds = array<i64: 64>, scalar_prefetch = 0 : i64, scratch_operands = 0 : i64, tpu.core_type = #tpu.core_type<tc>, window_params = [{transform_indices = @transform_0, window_bounds = array<i64: 4096, 64>}, {transform_indices = @transform_1, window_bounds = array<i64: 4096, 128>}, {pipeline_mode = #tpu.pipeline_mode<synchronous>, transform_indices = @transform_2, window_bounds = array<i64: 64, 128>}, {pipeline_mode = #tpu.pipeline_mode<synchronous>, transform_indices = @transform_3, window_bounds = array<i64: 1, 128>}, {pipeline_mode = #tpu.pipeline_mode<synchronous>, transform_indices = @transform_4, window_bounds = array<i64: 128, 128>}, {pipeline_mode = #tpu.pipeline_mode<synchronous>, transform_indices = @transform_5, window_bounds = array<i64: 1, 128>}, {transform_indices = @transform_6, window_bounds = array<i64: 128, 128>}]} {
    %get3A = arith.constant 0 : index
    %get3A_0 = arith.constant 0 : index
    %get3A_1 = vector.load %arg1[%get3A, %get3A_0] : memref<4096x64xf32, #tpu.memory_space<vmem>>, vector<4096x64xf32>
    %get3A_2 = arith.constant 0 : index
    %get3A_3 = arith.constant 0 : index
    %get3A_4 = vector.load %arg3[%get3A_2, %get3A_3] : memref<64x128xf32, #tpu.memory_space<vmem>>, vector<64x128xf32>
    %dot_general3A = arith.constant dense<0.000000e+00> : vector<4096x128xf32>
    %dot_general3A_5 = tpu.matmul %get3A_1, %get3A_4, %dot_general3A {dimension_numbers = #tpu.dot_dimension_numbers<[1], [0], [0], [1], [0, 0, 1, 1], [], []>, transpose_lhs_hint = false} : vector<4096x64xf32>, vector<64x128xf32>, vector<4096x128xf32> -> vector<4096x128xf32>
    %get3A_6 = arith.constant 0 : index
    %get3A_7 = arith.constant 0 : index
    %get3A_8 = vector.load %arg4[%get3A_6, %get3A_7] : memref<1x128xf32, #tpu.memory_space<vmem>>, vector<1x128xf32>
    %add3A = vector.broadcast %get3A_8 : vector<1x128xf32> to vector<4096x128xf32>
    %add3A_9 = arith.addf %dot_general3A_5, %add3A : vector<4096x128xf32>
    %max3A = arith.constant 0.000000e+00 : f32
    %max3A_10 = vector.broadcast %max3A : f32 to vector<4096x128xf32>
    %max3A_11 = arith.maximumf %add3A_9, %max3A_10 : vector<4096x128xf32>
    %abs3A = math.absf %add3A_9 : vector<4096x128xf32>
    %neg3A = arith.constant 0.000000e+00 : f32
    %neg3A_12 = vector.broadcast %neg3A : f32 to vector<4096x128xf32>
    %neg3A_13 = arith.subf %neg3A_12, %abs3A : vector<4096x128xf32>
    %exp3A = math.exp %neg3A_13 : vector<4096x128xf32>
    %add3A_14 = arith.constant 1.000000e+00 : f32
    %add3A_15 = vector.broadcast %add3A_14 : f32 to vector<4096x128xf32>
    %add3A_16 = arith.addf %add3A_15, %exp3A : vector<4096x128xf32>
    %log3A = math.log %add3A_16 : vector<4096x128xf32>
    %add3A_17 = arith.addf %max3A_11, %log3A : vector<4096x128xf32>
    %sub3A = arith.constant 0.693147182 : f32
    %sub3A_18 = vector.broadcast %sub3A : f32 to vector<4096x128xf32>
    %sub3A_19 = arith.subf %add3A_17, %sub3A_18 : vector<4096x128xf32>
    %get3A_20 = arith.constant 0 : index
    %get3A_21 = arith.constant 0 : index
    %get3A_22 = vector.load %arg5[%get3A_20, %get3A_21] : memref<128x128xf32, #tpu.memory_space<vmem>>, vector<128x128xf32>
    %dot_general3A_23 = arith.constant dense<0.000000e+00> : vector<4096x128xf32>
    %dot_general3A_24 = tpu.matmul %sub3A_19, %get3A_22, %dot_general3A_23 {dimension_numbers = #tpu.dot_dimension_numbers<[1], [0], [0], [1], [0, 0, 1, 1], [], []>, transpose_lhs_hint = false} : vector<4096x128xf32>, vector<128x128xf32>, vector<4096x128xf32> -> vector<4096x128xf32>
    %get3A_25 = arith.constant 0 : index
    %get3A_26 = arith.constant 0 : index
    %get3A_27 = vector.load %arg6[%get3A_25, %get3A_26] : memref<1x128xf32, #tpu.memory_space<vmem>>, vector<1x128xf32>
    %add3A_28 = vector.broadcast %get3A_27 : vector<1x128xf32> to vector<4096x128xf32>
    %add3A_29 = arith.addf %dot_general3A_24, %add3A_28 : vector<4096x128xf32>
    %get3A_30 = arith.constant 0 : index
    %get3A_31 = arith.constant 0 : index
    %get3A_32 = vector.load %arg2[%get3A_30, %get3A_31] : memref<4096x128xf32, #tpu.memory_space<vmem>>, vector<4096x128xf32>
    %mul3A = arith.mulf %add3A_29, %get3A_32 : vector<4096x128xf32>
    %reshape3A = vector.shape_cast %mul3A : vector<4096x128xf32> to vector<128x32x128xf32>
    %reduce_sum3A = arith.constant dense<0.000000e+00> : vector<128x128xf32>
    %reduce_sum3A_33 = vector.multi_reduction <add>, %reshape3A, %reduce_sum3A [1] : vector<128x32x128xf32> to vector<128x128xf32>
    %swap3A = arith.constant 0 : index
    %swap3A_34 = arith.constant 0 : index
    %swap3A_35 = vector.load %arg7[%swap3A, %swap3A_34] : memref<128x128xf32, #tpu.memory_space<vmem>>, vector<128x128xf32>
    tpu.vector_store %arg7[%swap3A, %swap3A_34], %reduce_sum3A_33 {strides = array<i32>} : memref<128x128xf32, #tpu.memory_space<vmem>>, vector<128x128xf32>,
    return
  }
  func.func @transform_0(%arg0: i32) -> (i32, i32) {
    %c0_i32 = arith.constant 0 : i32
    %c0_i32_0 = arith.constant 0 : i32
    return %arg0, %c0_i32 : i32, i32
  }
  func.func @transform_1(%arg0: i32) -> (i32, i32) {
    %c0_i32 = arith.constant 0 : i32
    %c0_i32_0 = arith.constant 0 : i32
    return %arg0, %c0_i32 : i32, i32
  }
  func.func @transform_2(%arg0: i32) -> (i32, i32) {
    %c0_i32 = arith.constant 0 : i32
    %c0_i32_0 = arith.constant 0 : i32
    %c0_i32_1 = arith.constant 0 : i32
    return %c0_i32, %c0_i32_0 : i32, i32
  }
  func.func @transform_3(%arg0: i32) -> (i32, i32) {
    %c0_i32 = arith.constant 0 : i32
    %c0_i32_0 = arith.constant 0 : i32
    %c0_i32_1 = arith.constant 0 : i32
    return %c0_i32, %c0_i32_0 : i32, i32
  }
  func.func @transform_4(%arg0: i32) -> (i32, i32) {
    %c0_i32 = arith.constant 0 : i32
    %c0_i32_0 = arith.constant 0 : i32
    %c0_i32_1 = arith.constant 0 : i32
    return %c0_i32, %c0_i32_0 : i32, i32
  }
  func.func @transform_5(%arg0: i32) -> (i32, i32) {
    %c0_i32 = arith.constant 0 : i32
    %c0_i32_0 = arith.constant 0 : i32
    %c0_i32_1 = arith.constant 0 : i32
    return %c0_i32, %c0_i32_0 : i32, i32
  }
  func.func @transform_6(%arg0: i32) -> (i32, i32) {
    %c0_i32 = arith.constant 0 : i32
    %c0_i32_0 = arith.constant 0 : i32
    return %arg0, %c0_i32 : i32, i32
  }
}

</mosaic_0001>

<sc_bundles>
// kernel: kernel.4.cloned.1.call-start
scs
__scs_entry_jumppad:
0x0: {  	(pc) =	sbr.rel $0x88, $3  }
0x1: {  	(tag) =	ssettag $0x0;
	lr =	simm.s32 $0x1  }
0x2: {  	[smem:$0x3F9A] =	sst lr;
	_ =	strace $0xD0000000  }
0x3: {  	_ = 	snop  }
0x4: {  	_ = 	snop  }
0x5: {  	_ = 	snop  }
0x6: {  	_ = 	snop  }
0x7: {  	_ = 	snop  }
__scs_overlays_trampoline_lowered:
0x8: {  	[smem:$0x3FA9] =	sst s0  }
0x9: {  	[smem:$0x3FAA] =	sst s1  }
0xa: {  	[smem:$0x3FAB] =	sst s2  }
0xb: {  	[smem:$0x3FAC] =	sst s3  }
0xc: {  	[smem:$0x3FAD] =	sst s4  }
0xd: {  	[smem:$0x3FAE] =	sst s5  }
0xe: {  	[smem:$0x3FAF] =	sst s6  }
0xf: {  	[smem:$0x3FB0] =	sst s7  }
0x10: {  	[smem:$0x3FB1] =	sst s8  }
0x11: {  	[smem:$0x3FB2] =	sst s9;
	s0 =	simm.s32 @!p0 $0x0  }
0x12: {  	s1 =	sld [smem:$0x3F98];
	s0 =	simm.s32 @p0 $0x1  }
0x13: {  	[smem:$0x3FB3] =	sst s0;
	s0 =	simm.s32 @!p1 $0x0  }
0x14: {  	s2 =	sld [smem:$0x3F97];
	s0 =	simm.s32 @p1 $0x1  }
0x15: {  	[smem:$0x3FB4] =	sst s0;
	s0 =	simm.s32 @!p2 $0x0  }
0x16: {  	s3 =	sld [smem:$0x3FDB];
	s0 =	simm.s32 @p2 $0x1  }
0x17: {  	s4 =	simm.s32 $0x1BF5;
	[smem:$0x3FB6] =	sst s0  }
0x18: {  	s0 =	sld [smem:$0x3F99];
	_ =	swait.ge [sflag:s4], $0x0  }
0x19: {  	s7 =	sld [smem:$0x3F9A]  }
0x1a: {  	s8 =	sadd.s32 $0xFFFFE003, lr  }
0x1b: {  	s9 =	sadd.s32 $0xFFFFFEF7, lr;
	s5 =	simm.s32 $0xFFFFFFFF;
	p2 =	slt.u32 s8, $0xFFFFF086  }
0x1c: {  	p1 =	slt.u32 s9, $0xF7A;
	s5 =	simm.s32 @!p2 $0x0  }
0x1d: {  	s5 =	simm.s32 @p1 $0x1;
	p0 =	seq.s32 s7, s2  }
0x1e: {  	s7 =	smul.u32 @!p0 $0xF7A, s2;
	p2 =	seq.s32 @!p0 s5, $0x0  }
0x1f: {  	s9 =	smul.u32 $0xF7A, s1;
	s8 =	simm.s32 @!p0 $0x1BF5;
	p2 =	por !p2, p0  }
0x20: {  	[sflag:s8] =	ssyncset.s32 @!p0 $0xFFFFF086;
	s6 =	sadd.s32 @!p0 s3, s7;
	s7 =	simm.s32 @!p0 $0x108  }
0x21: {  	s3 =	sadd.s32 s3, s9;
	s6 =	sadd.s32 @!p0 $0x88, s6;
	s7 =	simm.s32 @p2 $0x1082  }
0x22: {  	[simem:s7], [sflag:s8] =	dma.local @!p0 [hbm:s6], $0xF7A  }
0x23: {  	s9 =	sor.u32 $0xD0000000, s2;
	s6 =	simm.s32 $0x108;
	_ =	swait.ge @!p0 [sflag:s8], $0x0  }
0x24: {  	s3 =	sadd.s32 $0x88, s3;
	s6 =	simm.s32 @!p1 $0x1082;
	[sflag:s4] =	ssyncset.s32 $0xFFFFF086  }
0x25: {  	[simem:s6], [sflag:s4] =	dma.local [hbm:s3], $0xF7A  }
0x26: {  	[smem:$0x3F9A] =	sst s1;
	(tag) =	ssettag s2;
	_ =	strace s9  }
0x27: {  	s1 =	sld [smem:$0x3FAA]  }
0x28: {  	s2 =	sld [smem:$0x3FAB]  }
0x29: {  	s4 =	sld [smem:$0x3FAD]  }
0x2a: {  	p0 =	seq.s32 s5, $0x0;
	s5 =	sld [smem:$0x3FAE]  }
0x2b: {  	s6 =	sld [smem:$0x3FAF]  }
0x2c: {  	s7 =	sld [smem:$0x3FB0]  }
0x2d: {  	s3 =	simm.s32 $0x108;
	s8 =	sld [smem:$0x3FB1]  }
0x2e: {  	s3 =	simm.s32 @!p0 $0x1082;
	s9 =	sld [smem:$0x3FB2]  }
0x2f: {  	lr =	sadd.s32 s0, s3;
	s0 =	sld [smem:$0x3FA9]  }
0x30: {  	s3 =	sld [smem:$0x3FAC]  }
0x31: {  	[smem:$0x3FB5] =	sst s10  }
0x32: {  	s10 =	sld [smem:$0x3FB3];
	_ =	sdelay $0x3  }
0x33: {  	p0 =	seq.s32 s10, $0x1;
	s10 =	sld [smem:$0x3FB5];
	_ =	sdelay $0x3  }
0x34: {  	[smem:$0x3FB5] =	sst s10  }
0x35: {  	s10 =	sld [smem:$0x3FB4];
	_ =	sdelay $0x3  }
0x36: {  	p1 =	seq.s32 s10, $0x1;
	s10 =	sld [smem:$0x3FB5];
	_ =	sdelay $0x3  }
0x37: {  	[smem:$0x3FB5] =	sst s10  }
0x38: {  	s10 =	sld [smem:$0x3FB6]  }
0x39: {  	_ = 	snop;
	(pc) =	sbr.ind lr, $3  }
0x3a: {  	_ = 	snop  }
0x3b: {  	_ = 	snop  }
0x3c: {  	p2 =	seq.s32 s10, $0x1;
	s10 =	sld [smem:$0x3FB5]  }
0x3d: {  	_ =	shalt  }
0x3e: {  	_ =	shalt  }
0x3f: {  	_ =	shalt  }
0x40: {  	_ =	shalt  }
0x41: {  	_ =	shalt  }
0x42: {  	_ =	shalt  }
0x43: {  	_ =	shalt  }
0x44: {  	_ =	shalt  }
0x45: {  	_ =	shalt  }
0x46: {  	_ =	shalt  }
0x47: {  	_ =	shalt  }
0x48: {  	_ =	shalt  }
0x49: {  	_ =	shalt  }
0x4a: {  	_ =	shalt  }
0x4b: {  	_ =	shalt  }
0x4c: {  	_ =	shalt  }
0x4d: {  	_ =	shalt  }
0x4e: {  	_ =	shalt  }
0x4f: {  	_ =	shalt  }
0x50: {  	_ =	shalt  }
0x51: {  	_ =	shalt  }
0x52: {  	_ =	shalt  }
0x53: {  	_ =	shalt  }
0x54: {  	_ =	shalt  }
0x55: {  	_ =	shalt  }
0x56: {  	_ =	shalt  }
0x57: {  	_ =	shalt  }
0x58: {  	_ =	shalt  }
0x59: {  	_ =	shalt  }
0x5a: {  	_ =	shalt  }
0x5b: {  	_ =	shalt  }
0x5c: {  	_ =	shalt  }
0x5d: {  	_ =	shalt  }
0x5e: {  	_ =	shalt  }
0x5f: {  	_ =	shalt  }
0x60: {  	_ =	shalt  }
0x61: {  	_ =	shalt  }
0x62: {  	_ =	shalt  }
0x63: {  	_ =	shalt  }
0x64: {  	_ =	shalt  }
0x65: {  	_ =	shalt  }
0x66: {  	_ =	shalt  }
0x67: {  	_ =	shalt  }
0x68: {  	_ =	shalt  }
0x69: {  	_ =	shalt  }
0x6a: {  	_ =	shalt  }
0x6b: {  	_ =	shalt  }
0x6c: {  	_ =	shalt  }
0x6d: {  	_ =	shalt  }
0x6e: {  	_ =	shalt  }
0x6f: {  	_ =	shalt  }
0x70: {  	_ =	shalt  }
0x71: {  	_ =	shalt  }
0x72: {  	_ =	shalt  }
0x73: {  	_ =	shalt  }
0x74: {  	_ =	shalt  }
0x75: {  	_ =	shalt  }
0x76: {  	_ =	shalt  }
0x77: {  	_ =	shalt  }
0x78: {  	_ =	shalt  }
0x79: {  	_ =	shalt  }
0x7a: {  	_ =	shalt  }
0x7b: {  	_ =	shalt  }
0x7c: {  	_ =	shalt  }
0x7d: {  	_ =	shalt  }
0x7e: {  	_ =	shalt  }
0x7f: {  	_ =	shalt  }
0x80: {  	_ =	shalt  }
0x81: {  	_ =	shalt  }
0x82: {  	_ =	shalt  }
0x83: {  	_ =	shalt  }
0x84: {  	_ =	shalt  }
0x85: {  	_ =	shalt  }
0x86: {  	_ =	shalt  }
0x87: {  	_ =	shalt  }
.Lfunc_end0:
.L_simem_size_0:
called_computation_lowered:
.L_overlay_start_0:
0x88: {  	s2 =	sld [smem:$0x3FD9]  }
0x89: {  	s3 =	sld [smem:$0x3FFE];
	_ =	sdelay $0x1  }
0x8a: {  	s1 =	srdreg.scid  }
0x8b: {  	s0 =	sand.u32 $0x1, s1  }
0x8c: {  	s17 =	sshll.u32 s0, $0xA;
	s2 =	sadd.s32 s3, s2  }
0x8d: {  	s2 =	sadd.s32 s2, s17  }
0x8e: {  	[smem:$0x3FC1] =	sst s2  }
0x8f: {  	_ = 	snop  }
0x90: {  	s2 =	sld [smem:$0x3FC9]  }
0x91: {  	s18 =	sld [smem:$0x3FD0];
	(tm) =	ssettm $0x1  }
0x92: {  	s4 =	sld [smem:$0x3FFB];
	_ =	sdelay $0x3  }
0x93: {  	_ =	strace s4  }
0x94: {  	s4 =	sld [smem:$0x3FFC];
	_ =	sdelay $0x3  }
0x95: {  	_ =	strace s4  }
0x96: {  	s4 =	sld [smem:$0x3FFD];
	_ =	sdelay $0x3  }
0x97: {  	_ =	strace s4  }
0x98: {  	_ =	strace $0x8FFFFFFF  }
0x99: {  	s19 =	sld [smem:$0x3FDB];
	_ =	sdelay $0x1  }
0x9a: {  	s5 =	simm.s32 $_scs_section_size  }
0x9b: {  	s6 =	simm.s32 $_size__tile_overlayer_lowered;
	s7 =	simm.s32 $_tile_overlayer_lowered  }
0x9c: {  	s22 =	simm.s32 $0x1BFF;
	s21 =	sshll.u32 s7, $0x1;
	s4 =	sadd.s32 s5, s19  }
0x9d: {  	s8 =	simm.s32 $0x0;
	s20 =	sshll.u32 s6, $0x1;
	s6 =	sadd.s32 s21, s4  }
0x9e: {  	[timem:s8], [sflag:s22] =	dma.local [hbm:s6], s20  }
0x9f: {  	_ =	swait.ge [sflag:s22], s20  }
0xa0: {  	s5 =	ssub.s32 $0x0, s20;
	[sflag:s22] =	ssyncset.done $0x0  }
0xa1: {  	[sflag:s22] =	ssyncadd.s32 s5;
	_ =	sdelay $0x1  }
0xa2: {  	s23 =	simm.s32 $0x1B8B  }
0xa3: {  	_ =	swait.ge [sflag:s23], $0x1  }
0xa4: {  	[sflag:s23] =	ssyncset.done $0x0  }
0xa5: {  	s25 =	simm.s32 $0x1B8E;
	s24 =	sld [smem:$0x3FFE];
	[sflag:s23] =	ssyncadd.s32 $0xFFFFFFFF  }
0xa6: {  	s26 =	simm.s32 $execute0_lowered;
	[smem:$0x3FD2] =	sst s25  }
0xa7: {  	s6 =	sshll.u32 s26, $0x1;
	_ =	strace $0x80000046;
	[dreg:$0x1] =	wrdreg $0xFFFFFFFF  }
0xa8: {  	s28 =	simm.s32 $_size_execute0_lowered;
	s4 =	sadd.s32 s4, s6;
	[dreg:$0x0] =	wrdreg $0x0  }
0xa9: {  	s6 =	sshll.u32 s28, $0x1;
	[dreg:$0x2] =	wrdreg s4  }
0xaa: {  	[dreg:$0x3] =	wrdreg s6  }
0xab: {  	[dreg:$0x4] =	wrdreg $0xC0  }
0xac: {  	_ =	task [dreg:s8], $0x5FFFF  }
0xad: {  	[dreg:$0x1] =	wrdreg $0xFFFFFFFF  }
0xae: {  	[dreg:$0x0] =	wrdreg $0x60  }
0xaf: {  	[dreg:$0x2] =	wrdreg s2  }
0xb0: {  	[dreg:$0x3] =	wrdreg s18  }
0xb1: {  	[dreg:$0x4] =	wrdreg s24  }
0xb2: {  	[dreg:$0x5] =	wrdreg $0x9  }
0xb3: {  	_ =	task.clear_ibuf [dreg:s8], $0x6FFFF;
	_ =	strace $0x90000046  }
0xb4: {  	s29 =	simm.s32 $0x9;
	_ =	strace $0x80000048  }
0xb5: {  	_ =	swait.ge [sflag:s29], $0x1  }
0xb6: {  	[sflag:s29] =	ssyncadd.s32 $0xFFFFFFFF  }
0xb7: {  	_ =	strace $0x90000048  }
0xb8: {  	_ =	sfence  }
0xb9: {  	s30 =	sld [smem:$0x0];
	_ =	sdelay $0x2  }
0xba: {  	s31 =	sshll.u32 s1, $0xD;
	s1 =	sshrl.u32 s1, $0x2  }
0xbb: {  	s3 =	sand.u32 $0x4000, s31;
	s1 =	sadd.s32 s1, s30  }
0xbc: {  	s0 =	sor.u32 s3, s0;
	s1 =	sshll.u32 s1, $0x11  }
0xbd: {  	s0 =	sor.u32 s1, s0  }
0xbe: {  	s0 =	sadd.s32 $0x8F2B, s0  }
0xbf: {  	[sflag:s0] =	ssyncadd.remote.s32 $0x1  }
0xc0: {  	_ =	sfence.sel $0xFFFF  }
0xc1: {  	[dreg:$0x0] =	wrdreg $0xFFFFFFFF;
	(pc) =	sbr.abs _section_cstart, $3  }
0xc2: {  	[dreg:$0x1] =	wrdreg $0xFFFFFFFF  }
0xc3: {  	_ =	task.clear_ibuf [dreg:s8], $0x2FFFF;
	_ =	strace $0x9FFFFFFF  }
0xc4: {  	(tm) =	ssettm $0x7FFFFFFF  }
0xc5: {  	_ =	shalt  }
tec
execute0_lowered:
.L_overlay_start_1:
0x0: {  	(tag) =	ssettag $0x1  }
0x1: {  	s1 =	rddreg [dreg:$0x0]  }
0x2: {  	s4 =	rddreg [dreg:$0x1]  }
0x3: {  	s5 =	rddreg [dreg:$0x2]  }
0x4: {  	s0 =	rddreg [dreg:$0x3]  }
0x5: {  	s3 =	simm.s32 $0x0;
	s6 =	srdreg.scid;
	s2 =	stileid.u32  }
0x6: {  	[smem:$0x7FF] =	sst s3;
	s6 =	sand.u32 $0x1, s6;
	s8 =	sshll.u32 s2, $0xB  }
0x7: {  	s10 =	sshll.u32 s2, $0x12;
	s30 =	sshll.u32 s2, $0x9;
	_ =	strace $0x80000047  }
0x8: {  	s7 =	ssub.s32 $0x2, s6;
	s9 =	sshll.u32 s6, $0xA;
	s26 =	sadd.s32 s10, s5  }
0x9: {  	s6 =	sshll.u32 s6, $0x11;
	s31 =	sand.u32 $0x1C00, s30;
	s10 =	simm.s32 $0x1  }
0xa: {  	s11 =	sshrl.u32 s7, $0x1;
	s8 =	sor.u32 s9, s8;
	s6 =	sadd.s32 s6, s26  }
0xb: {  	s9 =	simm.s32 $0x2000;
	s28 =	ssub.s32 s7, s11;
	s29 =	sand.u32 $0xC00, s8  }
0xc: {  	s6 =	sadd.s32 $0xC00, s6;
	s7 =	simm.s32 $0x2;
	s8 =	simm.s32 $0x100  }
0xd: {  	v0 =	vmov s31;
	s11 =	simm.s32 $0x0;
	s4 =	sadd.s32 s4, s29;
	s5 =	smax.u32 s28, $0x1  }
.LBB2_1:
0xe: {  	[tilespmem:s3], [sflag:$0x2] =	stream.linear.gather [hbm4b:s4+s3], $0x2000, $0x38;
	[tilespmem:$0xA000] =	vst v63  }
0xf: {  	_ =	swait.ge [sflag:s7], $0x2000  }
0x10: {  	[sflag:s7] =	ssyncset.done $0x0  }
0x11: {  	s12 =	simm.s32 $0x0;
	s13 =	simm.s32 $0x40;
	[sflag:s7] =	ssyncadd.s32 $0xFFFFE000  }
.LBB2_2:
0x12: {  	p0 =	sne.s32 s13, $0x7FC0;
	v1 =	vld [tilespmem:s12+$0x0];
	_ =	sdelay $0x1  }
.Ltmp0:
0x13: {  	(pc) =	sbr.rel @p0 .LBB2_2-.Ltmp0, $3  }
0x14: {  	_ =	sdelay $0x1  }
0x15: {  	v1 =	vadd.s32 v0, v1  }
0x16: {  	[tilespmem:s12+$0x0] =	vst v1;
	s12 =	sshra.s32 s13, $0x2;
	s13 =	sadd.s32 $0x40, s13  }
0x17: {  	v1 =	vld [tilespmem:s12+$0x0];
	_ =	sdelay $0x4  }
0x18: {  	v1 =	vadd.s32 v0, v1  }
0x19: {  	s31 =	simm.s32 $0x0;
	[tilespmem:s12+$0x0] =	vst v1  }
0x1a: {  	[tilespmem:s9], [sflag:$0x1] =	stream.indirect.gather [hbm4b:s1+s8], $0x80, s31, s8, $0xb8;
	[tilespmem:$0xA000] =	vst v63  }
0x1b: {  	_ =	swait.ge [sflag:s10], $0x8000  }
0x1c: {  	[sflag:s10] =	ssyncset.done $0x0  }
0x1d: {  	[sflag:s10] =	ssyncadd.s32 $0xFFFF8000  }
0x1e: {  	[hbm4b:s6+s3] =	stream.linear.scatter [tilespmem:s9], [sflag:$0x2], $0x8000, $0x38;
	[tilespmem:$0xA000] =	vst v63  }
0x1f: {  	s13 =	simm.s32 $0x400;
	_ =	swait.ge [sflag:s7], $0x8000  }
0x20: {  	s14 =	simm.s32 $0x800;
	s12 =	sadd.s32 $0x1000, s6;
	[sflag:s7] =	ssyncset.done $0x0  }
.LBB2_4:
0x21: {  	s15 =	sshra.s32 s13, $0x2  }
0x22: {  	[sflag:s7] =	ssyncadd.s32 $0xFFFF8000;
	s13 =	smov.u32 s14;
	s16 =	sadd.s32 $0x400, s14  }
0x23: {  	[tilespmem:s9], [sflag:$0x1] =	stream.indirect.gather [hbm4b:s1+s8], $0x80, s15, s8, $0xb8;
	[tilespmem:$0xA000] =	vst v63  }
0x24: {  	p0 =	sne.s32 s14, $0x7C00;
	_ =	swait.ge [sflag:s10], $0x8000  }
.Ltmp1:
0x25: {  	[sflag:s10] =	ssyncset.done $0x0;
	(pc) =	sbr.rel @p0 .LBB2_4-.Ltmp1, $4  }
0x26: {  	[sflag:s10] =	ssyncadd.s32 $0xFFFF8000  }
0x27: {  	[hbm4b:s12+s3] =	stream.linear.scatter [tilespmem:s9], [sflag:$0x2], $0x8000, $0x38;
	[tilespmem:$0xA000] =	vst v63  }
0x28: {  	_ =	swait.ge [sflag:s7], $0x8000  }
0x29: {  	s14 =	smov.u32 s16;
	s12 =	sadd.s32 $0x1000, s12;
	[sflag:s7] =	ssyncset.done $0x0  }
0x2a: {  	s13 =	sshra.s32 s13, $0x2;
	[sflag:s7] =	ssyncadd.s32 $0xFFFF8000  }
0x2b: {  	[tilespmem:s9], [sflag:$0x1] =	stream.indirect.gather [hbm4b:s1+s8], $0x80, s13, s8, $0xb8;
	[tilespmem:$0xA000] =	vst v63  }
0x2c: {  	s11 =	sadd.s32 $0x1, s11;
	_ =	swait.ge [sflag:s10], $0x8000  }
0x2d: {  	p0 =	sne.s32 s11, s5;
	[sflag:s10] =	ssyncset.done $0x0  }
.Ltmp2:
0x2e: {  	[sflag:s10] =	ssyncadd.s32 $0xFFFF8000;
	(pc) =	sbr.rel @p0 .LBB2_1-.Ltmp2, $4  }
0x2f: {  	[hbm4b:s12+s3] =	stream.linear.scatter [tilespmem:s9], [sflag:$0x2], $0x8000, $0x38;
	[tilespmem:$0xA000] =	vst v63  }
0x30: {  	_ =	swait.ge [sflag:s7], $0x8000  }
0x31: {  	[sflag:s7] =	ssyncset.done $0x0  }
0x32: {  	[sflag:s7] =	ssyncadd.s32 $0xFFFF8000  }
0x33: {  	_ =	sfence.sel $0x180000  }
0x34: {  	[bflag:$0x0] =	sbarrier.arrive $0xFFFF  }
0x35: {  	p0 =	sne.s32 s2, $0x0;
	_ =	strace $0x90000047  }
0x36: {  	s0 =	sadd.s32 @!p0 $0x100000, s0;
	[bflag:$0x2] =	sbarrier.arrive $0xFFFF  }
0x37: {  	[sflag:s0] =	ssyncadd.tile.s32 @!p0 $0x1;
	_ =	shalt  }
.Lfunc_end2:
_tile_overlayer_lowered:
.L_overlay_start_2:
0x38: {  	(tag) =	ssettag $0x2  }
0x39: {  	s0 =	rddreg [dreg:$0x0];
	s2 =	stileid.u32  }
0x3a: {  	s1 =	rddreg [dreg:$0x1];
	p0 =	sne.s32 s2, $0x0  }
0x3b: {  	s3 =	rddreg [dreg:$0x2];
	[bflag:$0x3] =	sbarrier.arrive $0xFFFF;
	s2 =	simm.s32 @!p0 $0x1C02  }
0x3c: {  	[timem:s3], [sflag:s2] =	dma.local @!p0 [hbm:s0], s1  }
0x3d: {  	s0 =	simm.s32 @!p0 $0x2  }
0x3e: {  	_ =	swait.ge @!p0 [sflag:s0], s1  }
0x3f: {  	s1 =	ssub.s32 @!p0 $0x0, s1;
	[sflag:s0] =	ssyncset.done @!p0 $0x0  }
0x40: {  	[sflag:s0] =	ssyncadd.s32 @!p0 s1  }
0x41: {  	[bflag:$0x3] =	sbarrier.arrive $0xFFFF  }
0x42: {  	_ =	shalt  }

</sc_bundles>
